<compile_context>
chip_gen: v7x
topology: tpu7x:2x2x1
jax: 0.10.2.dev20260603
libtpu: 0.0.44.dev20260713+nightly
codegen_flags: <defaults>
</compile_context>

<pallas_src>
import jax
import jax.numpy as jnp
from jax.experimental import pallas as pl

_K = 64


def _body(pc_ref, tgt_ref, ox_ref, oy_ref, oz_ref):
    pc = pc_ref[0]
    tgt = tgt_ref[0]
    px = pc[0:1, :]
    py = pc[1:2, :]
    pz = pc[2:3, :]
    npc = px * px + py * py + pz * pz
    nt = jnp.sum(tgt * tgt, axis=1, keepdims=True)
    def r16(x):
        return x.astype(jnp.bfloat16).astype(jnp.float32)
    dot = (r16(tgt[:, 0:1]) * r16(px) + r16(tgt[:, 1:2]) * r16(py)
           + r16(tgt[:, 2:3]) * r16(pz))
    d = nt + npc - 2.0 * dot

    s = jax.lax.bitcast_convert_type(d, jnp.int32)
    int_min = jnp.int32(-(2**31))
    keys = jnp.where(s >= 0, s, jnp.bitwise_xor(jnp.bitwise_not(s), int_min))

    q = keys.shape[0]
    lo0 = jnp.full((q, 1), -(2**31), jnp.int32)
    hi0 = jnp.full((q, 1), 2**31 - 1, jnp.int32)
    tf0 = jnp.full((q, 1), 2**31 - 1, jnp.int32)
    fnd0 = jnp.zeros((q, 1), jnp.int32)

    def cond(st):
        it, lo, hi, tf, fnd = st
        return jnp.logical_and(it < 32, jnp.min(fnd) == 0)

    def step(st):
        it, lo, hi, tf, fnd = st
        for _ in range(8):
            mid = (lo >> 1) + (hi >> 1) + (lo & hi & 1)
            cnt = jnp.sum((keys <= mid).astype(jnp.int32), axis=1,
                          keepdims=True)
            hit = jnp.logical_and(cnt == _K, fnd == 0)
            tf = jnp.where(hit, mid, tf)
            fnd = jnp.where(hit, 1, fnd)
            ge = cnt >= _K
            lo = jnp.where(ge, lo, mid)
            hi = jnp.where(ge, mid, hi)
        return (it + 8, lo, hi, tf, fnd)

    _, _, hi, tf, fnd = jax.lax.while_loop(
        cond, step, (jnp.int32(0), lo0, hi0, tf0, fnd0))
    thr = jnp.where(fnd == 1, tf, hi)
    mask = keys <= thr
    zeros = jnp.zeros_like(d)
    ox_ref[0] = jnp.where(mask, jnp.broadcast_to(px, d.shape), zeros)
    oy_ref[0] = jnp.where(mask, jnp.broadcast_to(py, d.shape), zeros)
    oz_ref[0] = jnp.where(mask, jnp.broadcast_to(pz, d.shape), zeros)


@jax.jit
def kernel(pointcloud, target):
    pc = pointcloud[..., :3]
    b, n, _ = pc.shape
    q = target.shape[1]
    pc_t = jnp.swapaxes(pc, 1, 2)
    plane = jax.ShapeDtypeStruct((b, q, n), jnp.float32)
    ox, oy, oz = pl.pallas_call(
        _body,
        grid=(b,),
        in_specs=[
            pl.BlockSpec((1, 3, n), lambda i: (i, 0, 0)),
            pl.BlockSpec((1, q, 3), lambda i: (i, 0, 0)),
        ],
        out_specs=[pl.BlockSpec((1, q, n), lambda i: (i, 0, 0))] * 3,
        out_shape=[plane] * 3,
    )(pc_t, target)
    return jnp.stack([ox, oy, oz], axis=-1)

# --- scband reference (transcript-rebuilt; emitter-appended) ---
"""Pipeline reference for scband-get-offsetmap-12317966205150 (READ-ONLY COPY).

The authoritative reference and input builder live on the scoring server;
editing this copy changes nothing except your own understanding.
"""

import jax, jax.numpy as jnp
import numpy as np


def setup_inputs(seed: int = 0) -> dict:
    key = jax.random.key(seed)
    k1, k2 = jax.random.split(key)
    pointcloud = jax.random.normal(k1, (512, 1024, 3), dtype=jnp.float32)
    target = jax.random.normal(k2, (512, 21, 3), dtype=jnp.float32)
    return {"pointcloud": pointcloud, "target": target}


def reference(pointcloud, target):
    # pointcloud: [B, 1024, C>=3], target: [B, 21, 3]
    pc = pointcloud[..., :3]
    B = pc.shape[0]
    N = pc.shape[1]
    Q = target.shape[1]
    k = 64
    # torch_knn(target, pc, 64)
    norms_xq = jnp.sum(target ** 2, axis=2)            # [B, Q]
    norms_xb = jnp.sum(pc ** 2, axis=2)                # [B, N]
    temp = jnp.transpose(norms_xq.reshape(B, -1, 1), (1, 0, 2)) + norms_xb  # [Q, B, N]
    distances = jnp.transpose(temp, (1, 0, 2)) - 2.0 * jnp.einsum('bqd,bnd->bqn', target, pc)  # [B, Q, N]
    negD, I = jax.lax.top_k(-distances, k)             # smallest k -> topk of negated
    D = -negD
    # gather neighbor coordinates (computed in torch forward, unused in output)
    pc_exp = jnp.broadcast_to(pc[:, None, :, :], (B, Q, N, 3))
    idx = jnp.broadcast_to(I[..., None], (B, Q, k, 3))
    subPointcloud = jnp.take_along_axis(pc_exp, idx, axis=2)  # [B, Q, k, 3]
    # scatter ones at knn indices along point dim (same index for all 3 coords)
    bi = jnp.arange(B)[:, None, None]
    ti = jnp.arange(Q)[None, :, None]
    mask = jnp.zeros_like(pc_exp).at[bi, ti, I].set(1.0)  # [B, Q, N, 3]
    mask_label = mask * pc_exp
    return mask_label

if __name__ == "__main__":
    import jax
    _d = setup_inputs()
    print(jax.jit(kernel)(*tuple(_d.values())))

</pallas_src>

<mosaic_0001>
module attributes {stable_mosaic.version = 14 : i64} {
  func.func @_body(%arg0: i32, %arg1: memref<1x3x1024xf32, #tpu.memory_space<vmem>>, %arg2: memref<1x21x3xf32, #tpu.memory_space<vmem>>, %arg3: memref<1x21x1024xf32, #tpu.memory_space<vmem>>, %arg4: memref<1x21x1024xf32, #tpu.memory_space<vmem>>, %arg5: memref<1x21x1024xf32, #tpu.memory_space<vmem>>) attributes {dimension_semantics = [#tpu.dimension_semantics<arbitrary>], iteration_bounds = array<i64: 512>, scalar_prefetch = 0 : i64, scratch_operands = 0 : i64, tpu.core_type = #tpu.core_type<tc>, window_params = [{transform_indices = @transform_0, window_bounds = array<i64: 1, 3, 1024>}, {transform_indices = @transform_1, window_bounds = array<i64: 1, 21, 3>}, {transform_indices = @transform_2, window_bounds = array<i64: 1, 21, 1024>}, {transform_indices = @transform_3, window_bounds = array<i64: 1, 21, 1024>}, {transform_indices = @transform_4, window_bounds = array<i64: 1, 21, 1024>}]} {
    %get3A = arith.constant 0 : index
    %get3A_0 = arith.constant 0 : index
    %get3A_1 = arith.constant 0 : index
    %get3A_2 = vector.load %arg1[%get3A, %get3A_0, %get3A_1] : memref<1x3x1024xf32, #tpu.memory_space<vmem>>, vector<1x3x1024xf32>
    %get3A_3 = vector.shape_cast %get3A_2 : vector<1x3x1024xf32> to vector<3x1024xf32>
    %get3A_4 = arith.constant 0 : index
    %get3A_5 = arith.constant 0 : index
    %get3A_6 = arith.constant 0 : index
    %get3A_7 = vector.load %arg2[%get3A_4, %get3A_5, %get3A_6] : memref<1x21x3xf32, #tpu.memory_space<vmem>>, vector<1x21x3xf32>
    %get3A_8 = vector.shape_cast %get3A_7 : vector<1x21x3xf32> to vector<21x3xf32>
    %slice3A = vector.extract_strided_slice %get3A_3 {offsets = [0, 0], sizes = [1, 1024], strides = [1, 1]} : vector<3x1024xf32> to vector<1x1024xf32>
    %slice3A_9 = vector.extract_strided_slice %get3A_3 {offsets = [1, 0], sizes = [1, 1024], strides = [1, 1]} : vector<3x1024xf32> to vector<1x1024xf32>
    %slice3A_10 = vector.extract_strided_slice %get3A_3 {offsets = [2, 0], sizes = [1, 1024], strides = [1, 1]} : vector<3x1024xf32> to vector<1x1024xf32>
    %mul3A = arith.mulf %slice3A, %slice3A : vector<1x1024xf32>
    %mul3A_11 = arith.mulf %slice3A_9, %slice3A_9 : vector<1x1024xf32>
    %add3A = arith.addf %mul3A, %mul3A_11 : vector<1x1024xf32>
    %mul3A_12 = arith.mulf %slice3A_10, %slice3A_10 : vector<1x1024xf32>
    %add3A_13 = arith.addf %add3A, %mul3A_12 : vector<1x1024xf32>
    %mul3A_14 = arith.mulf %get3A_8, %get3A_8 : vector<21x3xf32>
    %reduce_sum3A = arith.constant dense<0.000000e+00> : vector<21xf32>
    %reduce_sum3A_15 = vector.multi_reduction <add>, %mul3A_14, %reduce_sum3A [1] : vector<21x3xf32> to vector<21xf32>
    %broadcast_in_dim3A = vector.shape_cast %reduce_sum3A_15 : vector<21xf32> to vector<21x1xf32>
    %slice3A_16 = vector.extract_strided_slice %get3A_8 {offsets = [0, 0], sizes = [21, 1], strides = [1, 1]} : vector<21x3xf32> to vector<21x1xf32>
    %convert_element_type3A = arith.truncf %slice3A_16 : vector<21x1xf32> to vector<21x1xbf16>
    %convert_element_type3A_17 = arith.extf %convert_element_type3A : vector<21x1xbf16> to vector<21x1xf32>
    %convert_element_type3A_18 = arith.truncf %slice3A : vector<1x1024xf32> to vector<1x1024xbf16>
    %convert_element_type3A_19 = arith.extf %convert_element_type3A_18 : vector<1x1024xbf16> to vector<1x1024xf32>
    %mul3A_20 = vector.broadcast %convert_element_type3A_17 : vector<21x1xf32> to vector<21x1024xf32>
    %mul3A_21 = vector.broadcast %convert_element_type3A_19 : vector<1x1024xf32> to vector<21x1024xf32>
    %mul3A_22 = arith.mulf %mul3A_20, %mul3A_21 : vector<21x1024xf32>
    %slice3A_23 = vector.extract_strided_slice %get3A_8 {offsets = [0, 1], sizes = [21, 1], strides = [1, 1]} : vector<21x3xf32> to vector<21x1xf32>
    %convert_element_type3A_24 = arith.truncf %slice3A_23 : vector<21x1xf32> to vector<21x1xbf16>
    %convert_element_type3A_25 = arith.extf %convert_element_type3A_24 : vector<21x1xbf16> to vector<21x1xf32>
    %convert_element_type3A_26 = arith.truncf %slice3A_9 : vector<1x1024xf32> to vector<1x1024xbf16>
    %convert_element_type3A_27 = arith.extf %convert_element_type3A_26 : vector<1x1024xbf16> to vector<1x1024xf32>
    %mul3A_28 = vector.broadcast %convert_element_type3A_25 : vector<21x1xf32> to vector<21x1024xf32>
    %mul3A_29 = vector.broadcast %convert_element_type3A_27 : vector<1x1024xf32> to vector<21x1024xf32>
    %mul3A_30 = arith.mulf %mul3A_28, %mul3A_29 : vector<21x1024xf32>
    %add3A_31 = arith.addf %mul3A_22, %mul3A_30 : vector<21x1024xf32>
    %slice3A_32 = vector.extract_strided_slice %get3A_8 {offsets = [0, 2], sizes = [21, 1], strides = [1, 1]} : vector<21x3xf32> to vector<21x1xf32>
    %convert_element_type3A_33 = arith.truncf %slice3A_32 : vector<21x1xf32> to vector<21x1xbf16>
    %convert_element_type3A_34 = arith.extf %convert_element_type3A_33 : vector<21x1xbf16> to vector<21x1xf32>
    %convert_element_type3A_35 = arith.truncf %slice3A_10 : vector<1x1024xf32> to vector<1x1024xbf16>
    %convert_element_type3A_36 = arith.extf %convert_element_type3A_35 : vector<1x1024xbf16> to vector<1x1024xf32>
    %mul3A_37 = vector.broadcast %convert_element_type3A_34 : vector<21x1xf32> to vector<21x1024xf32>
    %mul3A_38 = vector.broadcast %convert_element_type3A_36 : vector<1x1024xf32> to vector<21x1024xf32>
    %mul3A_39 = arith.mulf %mul3A_37, %mul3A_38 : vector<21x1024xf32>
    %add3A_40 = arith.addf %add3A_31, %mul3A_39 : vector<21x1024xf32>
    %add3A_41 = vector.broadcast %broadcast_in_dim3A : vector<21x1xf32> to vector<21x1024xf32>
    %add3A_42 = vector.broadcast %add3A_13 : vector<1x1024xf32> to vector<21x1024xf32>
    %add3A_43 = arith.addf %add3A_41, %add3A_42 : vector<21x1024xf32>
    %mul3A_44 = arith.constant 2.000000e+00 : f32
    %mul3A_45 = vector.broadcast %mul3A_44 : f32 to vector<21x1024xf32>
    %mul3A_46 = arith.mulf %mul3A_45, %add3A_40 : vector<21x1024xf32>
    %sub3A = arith.subf %add3A_43, %mul3A_46 : vector<21x1024xf32>
    %bitcast_convert_type3A = tpu.bitcast %sub3A : vector<21x1024xf32> -> vector<21x1024xi32>
    %ge3A = arith.constant 0 : i32
    %ge3A_47 = vector.broadcast %ge3A : i32 to vector<21x1024xi32>
    %ge3A_48 = arith.cmpi sge, %bitcast_convert_type3A, %ge3A_47 : vector<21x1024xi32>
    %not3A = arith.constant dense<-1> : vector<21x1024xi32>
    %not3A_49 = arith.xori %bitcast_convert_type3A, %not3A : vector<21x1024xi32>
    %xor3A = arith.constant -2147483648 : i32
    %xor3A_50 = vector.broadcast %xor3A : i32 to vector<21x1024xi32>
    %xor3A_51 = arith.xori %not3A_49, %xor3A_50 : vector<21x1024xi32>
    %select_n3A = arith.select %ge3A_48, %bitcast_convert_type3A, %xor3A_51 : vector<21x1024xi1>, vector<21x1024xi32>
    %broadcast_in_dim3A_52 = arith.constant -2147483648 : i32
    %broadcast_in_dim3A_53 = vector.broadcast %broadcast_in_dim3A_52 : i32 to vector<21x1xi32>
    %broadcast_in_dim3A_54 = arith.constant 2147483647 : i32
    %broadcast_in_dim3A_55 = vector.broadcast %broadcast_in_dim3A_54 : i32 to vector<21x1xi32>
    %broadcast_in_dim3A_56 = arith.constant 2147483647 : i32
    %broadcast_in_dim3A_57 = vector.broadcast %broadcast_in_dim3A_56 : i32 to vector<21x1xi32>
    %broadcast_in_dim3A_58 = arith.constant 0 : i32
    %broadcast_in_dim3A_59 = vector.broadcast %broadcast_in_dim3A_58 : i32 to vector<21x1xi32>
    %while3A = arith.constant 0 : i32
    %while3A_60:5 = scf.while (%while3A_93 = %while3A, %while3A_94 = %broadcast_in_dim3A_53, %while3A_95 = %broadcast_in_dim3A_55, %while3A_96 = %broadcast_in_dim3A_57, %while3A_97 = %broadcast_in_dim3A_59) : (i32, vector<21x1xi32>, vector<21x1xi32>, vector<21x1xi32>, vector<21x1xi32>) -> (i32, vector<21x1xi32>, vector<21x1xi32>, vector<21x1xi32>, vector<21x1xi32>) {
      %lt3A = arith.constant 32 : i32
      %lt3A_98 = arith.cmpi slt, %while3A_93, %lt3A : i32
      %reduce_min3A = vector.shape_cast %while3A_97 : vector<21x1xi32> to vector<1x21x1xi32>
      %reduce_min3A_99 = arith.constant dense<2147483647> : vector<1xi32>
      %reduce_min3A_100 = vector.multi_reduction <minsi>, %reduce_min3A, %reduce_min3A_99 [1, 2] : vector<1x21x1xi32> to vector<1xi32>
      %reduce_min3A_101 = vector.shape_cast %reduce_min3A_100 : vector<1xi32> to vector<1x1x1xi32>
      %reduce_min3A_102 = vector.extract %reduce_min3A_101[0, 0, 0] : i32 from vector<1x1x1xi32>
      %eq3A_103 = arith.constant 0 : i32
      %eq3A_104 = arith.cmpi eq, %reduce_min3A_102, %eq3A_103 : i32
      %and3A = arith.andi %lt3A_98, %eq3A_104 : i1
      scf.condition(%and3A) %while3A_93, %while3A_94, %while3A_95, %while3A_96, %while3A_97 : i32, vector<21x1xi32>, vector<21x1xi32>, vector<21x1xi32>, vector<21x1xi32>
    } do {
    ^bb0(%while3A_93: i32, %while3A_94: vector<21x1xi32>, %while3A_95: vector<21x1xi32>, %while3A_96: vector<21x1xi32>, %while3A_97: vector<21x1xi32>):
      %shift_right_arithmetic3A = arith.constant 1 : i32
      %shift_right_arithmetic3A_98 = vector.broadcast %shift_right_arithmetic3A : i32 to vector<21x1xi32>
      %shift_right_arithmetic3A_99 = arith.shrsi %while3A_94, %shift_right_arithmetic3A_98 : vector<21x1xi32>
      %shift_right_arithmetic3A_100 = arith.constant 1 : i32
      %shift_right_arithmetic3A_101 = vector.broadcast %shift_right_arithmetic3A_100 : i32 to vector<21x1xi32>
      %shift_right_arithmetic3A_102 = arith.shrsi %while3A_95, %shift_right_arithmetic3A_101 : vector<21x1xi32>
      %add3A_103 = arith.addi %shift_right_arithmetic3A_99, %shift_right_arithmetic3A_102 : vector<21x1xi32>
      %and3A = arith.andi %while3A_94, %while3A_95 : vector<21x1xi32>
      %and3A_104 = arith.constant 1 : i32
      %and3A_105 = vector.broadcast %and3A_104 : i32 to vector<21x1xi32>
      %and3A_106 = arith.andi %and3A, %and3A_105 : vector<21x1xi32>
      %add3A_107 = arith.addi %add3A_103, %and3A_106 : vector<21x1xi32>
      %le3A_108 = vector.broadcast %add3A_107 : vector<21x1xi32> to vector<21x1024xi32>
      %le3A_109 = arith.cmpi sle, %select_n3A, %le3A_108 : vector<21x1024xi32>
      %convert_element_type3A_110 = arith.extui %le3A_109 : vector<21x1024xi1> to vector<21x1024xi32>
      %reduce_sum3A_111 = arith.constant dense<0> : vector<21xi32>
      %reduce_sum3A_112 = vector.multi_reduction <add>, %convert_element_type3A_110, %reduce_sum3A_111 [1] : vector<21x1024xi32> to vector<21xi32>
      %broadcast_in_dim3A_113 = vector.shape_cast %reduce_sum3A_112 : vector<21xi32> to vector<21x1xi32>
      %eq3A_114 = arith.constant 64 : i32
      %eq3A_115 = vector.broadcast %eq3A_114 : i32 to vector<21x1xi32>
      %eq3A_116 = arith.cmpi eq, %broadcast_in_dim3A_113, %eq3A_115 : vector<21x1xi32>
      %eq3A_117 = arith.constant 0 : i32
      %eq3A_118 = vector.broadcast %eq3A_117 : i32 to vector<21x1xi32>
      %eq3A_119 = arith.cmpi eq, %while3A_97, %eq3A_118 : vector<21x1xi32>
      %and3A_120 = arith.andi %eq3A_116, %eq3A_119 : vector<21x1xi1>
      %select_n3A_121 = arith.select %and3A_120, %add3A_107, %while3A_96 : vector<21x1xi1>, vector<21x1xi32>
      %jit3A = arith.constant 1 : i32
      %broadcast_in_dim3A_122 = vector.broadcast %jit3A : i32 to vector<21x1xi32>
      %select_n3A_123 = arith.select %and3A_120, %broadcast_in_dim3A_122, %while3A_97 : vector<21x1xi1>, vector<21x1xi32>
      %ge3A_124 = arith.constant 64 : i32
      %ge3A_125 = vector.broadcast %ge3A_124 : i32 to vector<21x1xi32>
      %ge3A_126 = arith.cmpi sge, %broadcast_in_dim3A_113, %ge3A_125 : vector<21x1xi32>
      %select_n3A_127 = arith.select %ge3A_126, %while3A_94, %add3A_107 : vector<21x1xi1>, vector<21x1xi32>
      %select_n3A_128 = arith.select %ge3A_126, %add3A_107, %while3A_95 : vector<21x1xi1>, vector<21x1xi32>
      %shift_right_arithmetic3A_129 = arith.constant 1 : i32
      %shift_right_arithmetic3A_130 = vector.broadcast %shift_right_arithmetic3A_129 : i32 to vector<21x1xi32>
      %shift_right_arithmetic3A_131 = arith.shrsi %select_n3A_127, %shift_right_arithmetic3A_130 : vector<21x1xi32>
      %shift_right_arithmetic3A_132 = arith.constant 1 : i32
      %shift_right_arithmetic3A_133 = vector.broadcast %shift_right_arithmetic3A_132 : i32 to vector<21x1xi32>
      %shift_right_arithmetic3A_134 = arith.shrsi %select_n3A_128, %shift_right_arithmetic3A_133 : vector<21x1xi32>
      %add3A_135 = arith.addi %shift_right_arithmetic3A_131, %shift_right_arithmetic3A_134 : vector<21x1xi32>
      %and3A_136 = arith.andi %select_n3A_127, %select_n3A_128 : vector<21x1xi32>
      %and3A_137 = arith.constant 1 : i32
      %and3A_138 = vector.broadcast %and3A_137 : i32 to vector<21x1xi32>
      %and3A_139 = arith.andi %and3A_136, %and3A_138 : vector<21x1xi32>
      %add3A_140 = arith.addi %add3A_135, %and3A_139 : vector<21x1xi32>
      %le3A_141 = vector.broadcast %add3A_140 : vector<21x1xi32> to vector<21x1024xi32>
      %le3A_142 = arith.cmpi sle, %select_n3A, %le3A_141 : vector<21x1024xi32>
      %convert_element_type3A_143 = arith.extui %le3A_142 : vector<21x1024xi1> to vector<21x1024xi32>
      %reduce_sum3A_144 = arith.constant dense<0> : vector<21xi32>
      %reduce_sum3A_145 = vector.multi_reduction <add>, %convert_element_type3A_143, %reduce_sum3A_144 [1] : vector<21x1024xi32> to vector<21xi32>
      %broadcast_in_dim3A_146 = vector.shape_cast %reduce_sum3A_145 : vector<21xi32> to vector<21x1xi32>
      %eq3A_147 = arith.constant 64 : i32
      %eq3A_148 = vector.broadcast %eq3A_147 : i32 to vector<21x1xi32>
      %eq3A_149 = arith.cmpi eq, %broadcast_in_dim3A_146, %eq3A_148 : vector<21x1xi32>
      %eq3A_150 = arith.constant 0 : i32
      %eq3A_151 = vector.broadcast %eq3A_150 : i32 to vector<21x1xi32>
      %eq3A_152 = arith.cmpi eq, %select_n3A_123, %eq3A_151 : vector<21x1xi32>
      %and3A_153 = arith.andi %eq3A_149, %eq3A_152 : vector<21x1xi1>
      %select_n3A_154 = arith.select %and3A_153, %add3A_140, %select_n3A_121 : vector<21x1xi1>, vector<21x1xi32>
      %jit3A_155 = arith.constant 1 : i32
      %broadcast_in_dim3A_156 = vector.broadcast %jit3A_155 : i32 to vector<21x1xi32>
      %select_n3A_157 = arith.select %and3A_153, %broadcast_in_dim3A_156, %select_n3A_123 : vector<21x1xi1>, vector<21x1xi32>
      %ge3A_158 = arith.constant 64 : i32
      %ge3A_159 = vector.broadcast %ge3A_158 : i32 to vector<21x1xi32>
      %ge3A_160 = arith.cmpi sge, %broadcast_in_dim3A_146, %ge3A_159 : vector<21x1xi32>
      %select_n3A_161 = arith.select %ge3A_160, %select_n3A_127, %add3A_140 : vector<21x1xi1>, vector<21x1xi32>
      %select_n3A_162 = arith.select %ge3A_160, %add3A_140, %select_n3A_128 : vector<21x1xi1>, vector<21x1xi32>
      %shift_right_arithmetic3A_163 = arith.constant 1 : i32
      %shift_right_arithmetic3A_164 = vector.broadcast %shift_right_arithmetic3A_163 : i32 to vector<21x1xi32>
      %shift_right_arithmetic3A_165 = arith.shrsi %select_n3A_161, %shift_right_arithmetic3A_164 : vector<21x1xi32>
      %shift_right_arithmetic3A_166 = arith.constant 1 : i32
      %shift_right_arithmetic3A_167 = vector.broadcast %shift_right_arithmetic3A_166 : i32 to vector<21x1xi32>
      %shift_right_arithmetic3A_168 = arith.shrsi %select_n3A_162, %shift_right_arithmetic3A_167 : vector<21x1xi32>
      %add3A_169 = arith.addi %shift_right_arithmetic3A_165, %shift_right_arithmetic3A_168 : vector<21x1xi32>
      %and3A_170 = arith.andi %select_n3A_161, %select_n3A_162 : vector<21x1xi32>
      %and3A_171 = arith.constant 1 : i32
      %and3A_172 = vector.broadcast %and3A_171 : i32 to vector<21x1xi32>
      %and3A_173 = arith.andi %and3A_170, %and3A_172 : vector<21x1xi32>
      %add3A_174 = arith.addi %add3A_169, %and3A_173 : vector<21x1xi32>
      %le3A_175 = vector.broadcast %add3A_174 : vector<21x1xi32> to vector<21x1024xi32>
      %le3A_176 = arith.cmpi sle, %select_n3A, %le3A_175 : vector<21x1024xi32>
      %convert_element_type3A_177 = arith.extui %le3A_176 : vector<21x1024xi1> to vector<21x1024xi32>
      %reduce_sum3A_178 = arith.constant dense<0> : vector<21xi32>
      %reduce_sum3A_179 = vector.multi_reduction <add>, %convert_element_type3A_177, %reduce_sum3A_178 [1] : vector<21x1024xi32> to vector<21xi32>
      %broadcast_in_dim3A_180 = vector.shape_cast %reduce_sum3A_179 : vector<21xi32> to vector<21x1xi32>
      %eq3A_181 = arith.constant 64 : i32
      %eq3A_182 = vector.broadcast %eq3A_181 : i32 to vector<21x1xi32>
      %eq3A_183 = arith.cmpi eq, %broadcast_in_dim3A_180, %eq3A_182 : vector<21x1xi32>
      %eq3A_184 = arith.constant 0 : i32
      %eq3A_185 = vector.broadcast %eq3A_184 : i32 to vector<21x1xi32>
      %eq3A_186 = arith.cmpi eq, %select_n3A_157, %eq3A_185 : vector<21x1xi32>
      %and3A_187 = arith.andi %eq3A_183, %eq3A_186 : vector<21x1xi1>
      %select_n3A_188 = arith.select %and3A_187, %add3A_174, %select_n3A_154 : vector<21x1xi1>, vector<21x1xi32>
      %jit3A_189 = arith.constant 1 : i32
      %broadcast_in_dim3A_190 = vector.broadcast %jit3A_189 : i32 to vector<21x1xi32>
      %select_n3A_191 = arith.select %and3A_187, %broadcast_in_dim3A_190, %select_n3A_157 : vector<21x1xi1>, vector<21x1xi32>
      %ge3A_192 = arith.constant 64 : i32
      %ge3A_193 = vector.broadcast %ge3A_192 : i32 to vector<21x1xi32>
      %ge3A_194 = arith.cmpi sge, %broadcast_in_dim3A_180, %ge3A_193 : vector<21x1xi32>
      %select_n3A_195 = arith.select %ge3A_194, %select_n3A_161, %add3A_174 : vector<21x1xi1>, vector<21x1xi32>
      %select_n3A_196 = arith.select %ge3A_194, %add3A_174, %select_n3A_162 : vector<21x1xi1>, vector<21x1xi32>
      %shift_right_arithmetic3A_197 = arith.constant 1 : i32
      %shift_right_arithmetic3A_198 = vector.broadcast %shift_right_arithmetic3A_197 : i32 to vector<21x1xi32>
      %shift_right_arithmetic3A_199 = arith.shrsi %select_n3A_195, %shift_right_arithmetic3A_198 : vector<21x1xi32>
      %shift_right_arithmetic3A_200 = arith.constant 1 : i32
      %shift_right_arithmetic3A_201 = vector.broadcast %shift_right_arithmetic3A_200 : i32 to vector<21x1xi32>
      %shift_right_arithmetic3A_202 = arith.shrsi %select_n3A_196, %shift_right_arithmetic3A_201 : vector<21x1xi32>
      %add3A_203 = arith.addi %shift_right_arithmetic3A_199, %shift_right_arithmetic3A_202 : vector<21x1xi32>
      %and3A_204 = arith.andi %select_n3A_195, %select_n3A_196 : vector<21x1xi32>
      %and3A_205 = arith.constant 1 : i32
      %and3A_206 = vector.broadcast %and3A_205 : i32 to vector<21x1xi32>
      %and3A_207 = arith.andi %and3A_204, %and3A_206 : vector<21x1xi32>
      %add3A_208 = arith.addi %add3A_203, %and3A_207 : vector<21x1xi32>
      %le3A_209 = vector.broadcast %add3A_208 : vector<21x1xi32> to vector<21x1024xi32>
      %le3A_210 = arith.cmpi sle, %select_n3A, %le3A_209 : vector<21x1024xi32>
      %convert_element_type3A_211 = arith.extui %le3A_210 : vector<21x1024xi1> to vector<21x1024xi32>
      %reduce_sum3A_212 = arith.constant dense<0> : vector<21xi32>
      %reduce_sum3A_213 = vector.multi_reduction <add>, %convert_element_type3A_211, %reduce_sum3A_212 [1] : vector<21x1024xi32> to vector<21xi32>
      %broadcast_in_dim3A_214 = vector.shape_cast %reduce_sum3A_213 : vector<21xi32> to vector<21x1xi32>
      %eq3A_215 = arith.constant 64 : i32
      %eq3A_216 = vector.broadcast %eq3A_215 : i32 to vector<21x1xi32>
      %eq3A_217 = arith.cmpi eq, %broadcast_in_dim3A_214, %eq3A_216 : vector<21x1xi32>
      %eq3A_218 = arith.constant 0 : i32
      %eq3A_219 = vector.broadcast %eq3A_218 : i32 to vector<21x1xi32>
      %eq3A_220 = arith.cmpi eq, %select_n3A_191, %eq3A_219 : vector<21x1xi32>
      %and3A_221 = arith.andi %eq3A_217, %eq3A_220 : vector<21x1xi1>
      %select_n3A_222 = arith.select %and3A_221, %add3A_208, %select_n3A_188 : vector<21x1xi1>, vector<21x1xi32>
      %jit3A_223 = arith.constant 1 : i32
      %broadcast_in_dim3A_224 = vector.broadcast %jit3A_223 : i32 to vector<21x1xi32>
      %select_n3A_225 = arith.select %and3A_221, %broadcast_in_dim3A_224, %select_n3A_191 : vector<21x1xi1>, vector<21x1xi32>
      %ge3A_226 = arith.constant 64 : i32
      %ge3A_227 = vector.broadcast %ge3A_226 : i32 to vector<21x1xi32>
      %ge3A_228 = arith.cmpi sge, %broadcast_in_dim3A_214, %ge3A_227 : vector<21x1xi32>
      %select_n3A_229 = arith.select %ge3A_228, %select_n3A_195, %add3A_208 : vector<21x1xi1>, vector<21x1xi32>
      %select_n3A_230 = arith.select %ge3A_228, %add3A_208, %select_n3A_196 : vector<21x1xi1>, vector<21x1xi32>
      %shift_right_arithmetic3A_231 = arith.constant 1 : i32
      %shift_right_arithmetic3A_232 = vector.broadcast %shift_right_arithmetic3A_231 : i32 to vector<21x1xi32>
      %shift_right_arithmetic3A_233 = arith.shrsi %select_n3A_229, %shift_right_arithmetic3A_232 : vector<21x1xi32>
      %shift_right_arithmetic3A_234 = arith.constant 1 : i32
      %shift_right_arithmetic3A_235 = vector.broadcast %shift_right_arithmetic3A_234 : i32 to vector<21x1xi32>
      %shift_right_arithmetic3A_236 = arith.shrsi %select_n3A_230, %shift_right_arithmetic3A_235 : vector<21x1xi32>
      %add3A_237 = arith.addi %shift_right_arithmetic3A_233, %shift_right_arithmetic3A_236 : vector<21x1xi32>
      %and3A_238 = arith.andi %select_n3A_229, %select_n3A_230 : vector<21x1xi32>
      %and3A_239 = arith.constant 1 : i32
      %and3A_240 = vector.broadcast %and3A_239 : i32 to vector<21x1xi32>
      %and3A_241 = arith.andi %and3A_238, %and3A_240 : vector<21x1xi32>
      %add3A_242 = arith.addi %add3A_237, %and3A_241 : vector<21x1xi32>
      %le3A_243 = vector.broadcast %add3A_242 : vector<21x1xi32> to vector<21x1024xi32>
      %le3A_244 = arith.cmpi sle, %select_n3A, %le3A_243 : vector<21x1024xi32>
      %convert_element_type3A_245 = arith.extui %le3A_244 : vector<21x1024xi1> to vector<21x1024xi32>
      %reduce_sum3A_246 = arith.constant dense<0> : vector<21xi32>
      %reduce_sum3A_247 = vector.multi_reduction <add>, %convert_element_type3A_245, %reduce_sum3A_246 [1] : vector<21x1024xi32> to vector<21xi32>
      %broadcast_in_dim3A_248 = vector.shape_cast %reduce_sum3A_247 : vector<21xi32> to vector<21x1xi32>
      %eq3A_249 = arith.constant 64 : i32
      %eq3A_250 = vector.broadcast %eq3A_249 : i32 to vector<21x1xi32>
      %eq3A_251 = arith.cmpi eq, %broadcast_in_dim3A_248, %eq3A_250 : vector<21x1xi32>
      %eq3A_252 = arith.constant 0 : i32
      %eq3A_253 = vector.broadcast %eq3A_252 : i32 to vector<21x1xi32>
      %eq3A_254 = arith.cmpi eq, %select_n3A_225, %eq3A_253 : vector<21x1xi32>
      %and3A_255 = arith.andi %eq3A_251, %eq3A_254 : vector<21x1xi1>
      %select_n3A_256 = arith.select %and3A_255, %add3A_242, %select_n3A_222 : vector<21x1xi1>, vector<21x1xi32>
      %jit3A_257 = arith.constant 1 : i32
      %broadcast_in_dim3A_258 = vector.broadcast %jit3A_257 : i32 to vector<21x1xi32>
      %select_n3A_259 = arith.select %and3A_255, %broadcast_in_dim3A_258, %select_n3A_225 : vector<21x1xi1>, vector<21x1xi32>
      %ge3A_260 = arith.constant 64 : i32
      %ge3A_261 = vector.broadcast %ge3A_260 : i32 to vector<21x1xi32>
      %ge3A_262 = arith.cmpi sge, %broadcast_in_dim3A_248, %ge3A_261 : vector<21x1xi32>
      %select_n3A_263 = arith.select %ge3A_262, %select_n3A_229, %add3A_242 : vector<21x1xi1>, vector<21x1xi32>
      %select_n3A_264 = arith.select %ge3A_262, %add3A_242, %select_n3A_230 : vector<21x1xi1>, vector<21x1xi32>
      %shift_right_arithmetic3A_265 = arith.constant 1 : i32
      %shift_right_arithmetic3A_266 = vector.broadcast %shift_right_arithmetic3A_265 : i32 to vector<21x1xi32>
      %shift_right_arithmetic3A_267 = arith.shrsi %select_n3A_263, %shift_right_arithmetic3A_266 : vector<21x1xi32>
      %shift_right_arithmetic3A_268 = arith.constant 1 : i32
      %shift_right_arithmetic3A_269 = vector.broadcast %shift_right_arithmetic3A_268 : i32 to vector<21x1xi32>
      %shift_right_arithmetic3A_270 = arith.shrsi %select_n3A_264, %shift_right_arithmetic3A_269 : vector<21x1xi32>
      %add3A_271 = arith.addi %shift_right_arithmetic3A_267, %shift_right_arithmetic3A_270 : vector<21x1xi32>
      %and3A_272 = arith.andi %select_n3A_263, %select_n3A_264 : vector<21x1xi32>
      %and3A_273 = arith.constant 1 : i32
      %and3A_274 = vector.broadcast %and3A_273 : i32 to vector<21x1xi32>
      %and3A_275 = arith.andi %and3A_272, %and3A_274 : vector<21x1xi32>
      %add3A_276 = arith.addi %add3A_271, %and3A_275 : vector<21x1xi32>
      %le3A_277 = vector.broadcast %add3A_276 : vector<21x1xi32> to vector<21x1024xi32>
      %le3A_278 = arith.cmpi sle, %select_n3A, %le3A_277 : vector<21x1024xi32>
      %convert_element_type3A_279 = arith.extui %le3A_278 : vector<21x1024xi1> to vector<21x1024xi32>
      %reduce_sum3A_280 = arith.constant dense<0> : vector<21xi32>
      %reduce_sum3A_281 = vector.multi_reduction <add>, %convert_element_type3A_279, %reduce_sum3A_280 [1] : vector<21x1024xi32> to vector<21xi32>
      %broadcast_in_dim3A_282 = vector.shape_cast %reduce_sum3A_281 : vector<21xi32> to vector<21x1xi32>
      %eq3A_283 = arith.constant 64 : i32
      %eq3A_284 = vector.broadcast %eq3A_283 : i32 to vector<21x1xi32>
      %eq3A_285 = arith.cmpi eq, %broadcast_in_dim3A_282, %eq3A_284 : vector<21x1xi32>
      %eq3A_286 = arith.constant 0 : i32
      %eq3A_287 = vector.broadcast %eq3A_286 : i32 to vector<21x1xi32>
      %eq3A_288 = arith.cmpi eq, %select_n3A_259, %eq3A_287 : vector<21x1xi32>
      %and3A_289 = arith.andi %eq3A_285, %eq3A_288 : vector<21x1xi1>
      %select_n3A_290 = arith.select %and3A_289, %add3A_276, %select_n3A_256 : vector<21x1xi1>, vector<21x1xi32>
      %jit3A_291 = arith.constant 1 : i32
      %broadcast_in_dim3A_292 = vector.broadcast %jit3A_291 : i32 to vector<21x1xi32>
      %select_n3A_293 = arith.select %and3A_289, %broadcast_in_dim3A_292, %select_n3A_259 : vector<21x1xi1>, vector<21x1xi32>
      %ge3A_294 = arith.constant 64 : i32
      %ge3A_295 = vector.broadcast %ge3A_294 : i32 to vector<21x1xi32>
      %ge3A_296 = arith.cmpi sge, %broadcast_in_dim3A_282, %ge3A_295 : vector<21x1xi32>
      %select_n3A_297 = arith.select %ge3A_296, %select_n3A_263, %add3A_276 : vector<21x1xi1>, vector<21x1xi32>
      %select_n3A_298 = arith.select %ge3A_296, %add3A_276, %select_n3A_264 : vector<21x1xi1>, vector<21x1xi32>
      %shift_right_arithmetic3A_299 = arith.constant 1 : i32
      %shift_right_arithmetic3A_300 = vector.broadcast %shift_right_arithmetic3A_299 : i32 to vector<21x1xi32>
      %shift_right_arithmetic3A_301 = arith.shrsi %select_n3A_297, %shift_right_arithmetic3A_300 : vector<21x1xi32>
      %shift_right_arithmetic3A_302 = arith.constant 1 : i32
      %shift_right_arithmetic3A_303 = vector.broadcast %shift_right_arithmetic3A_302 : i32 to vector<21x1xi32>
      %shift_right_arithmetic3A_304 = arith.shrsi %select_n3A_298, %shift_right_arithmetic3A_303 : vector<21x1xi32>
      %add3A_305 = arith.addi %shift_right_arithmetic3A_301, %shift_right_arithmetic3A_304 : vector<21x1xi32>
      %and3A_306 = arith.andi %select_n3A_297, %select_n3A_298 : vector<21x1xi32>
      %and3A_307 = arith.constant 1 : i32
      %and3A_308 = vector.broadcast %and3A_307 : i32 to vector<21x1xi32>
      %and3A_309 = arith.andi %and3A_306, %and3A_308 : vector<21x1xi32>
      %add3A_310 = arith.addi %add3A_305, %and3A_309 : vector<21x1xi32>
      %le3A_311 = vector.broadcast %add3A_310 : vector<21x1xi32> to vector<21x1024xi32>
      %le3A_312 = arith.cmpi sle, %select_n3A, %le3A_311 : vector<21x1024xi32>
      %convert_element_type3A_313 = arith.extui %le3A_312 : vector<21x1024xi1> to vector<21x1024xi32>
      %reduce_sum3A_314 = arith.constant dense<0> : vector<21xi32>
      %reduce_sum3A_315 = vector.multi_reduction <add>, %convert_element_type3A_313, %reduce_sum3A_314 [1] : vector<21x1024xi32> to vector<21xi32>
      %broadcast_in_dim3A_316 = vector.shape_cast %reduce_sum3A_315 : vector<21xi32> to vector<21x1xi32>
      %eq3A_317 = arith.constant 64 : i32
      %eq3A_318 = vector.broadcast %eq3A_317 : i32 to vector<21x1xi32>
      %eq3A_319 = arith.cmpi eq, %broadcast_in_dim3A_316, %eq3A_318 : vector<21x1xi32>
      %eq3A_320 = arith.constant 0 : i32
      %eq3A_321 = vector.broadcast %eq3A_320 : i32 to vector<21x1xi32>
      %eq3A_322 = arith.cmpi eq, %select_n3A_293, %eq3A_321 : vector<21x1xi32>
      %and3A_323 = arith.andi %eq3A_319, %eq3A_322 : vector<21x1xi1>
      %select_n3A_324 = arith.select %and3A_323, %add3A_310, %select_n3A_290 : vector<21x1xi1>, vector<21x1xi32>
      %jit3A_325 = arith.constant 1 : i32
      %broadcast_in_dim3A_326 = vector.broadcast %jit3A_325 : i32 to vector<21x1xi32>
      %select_n3A_327 = arith.select %and3A_323, %broadcast_in_dim3A_326, %select_n3A_293 : vector<21x1xi1>, vector<21x1xi32>
      %ge3A_328 = arith.constant 64 : i32
      %ge3A_329 = vector.broadcast %ge3A_328 : i32 to vector<21x1xi32>
      %ge3A_330 = arith.cmpi sge, %broadcast_in_dim3A_316, %ge3A_329 : vector<21x1xi32>
      %select_n3A_331 = arith.select %ge3A_330, %select_n3A_297, %add3A_310 : vector<21x1xi1>, vector<21x1xi32>
      %select_n3A_332 = arith.select %ge3A_330, %add3A_310, %select_n3A_298 : vector<21x1xi1>, vector<21x1xi32>
      %shift_right_arithmetic3A_333 = arith.constant 1 : i32
      %shift_right_arithmetic3A_334 = vector.broadcast %shift_right_arithmetic3A_333 : i32 to vector<21x1xi32>
      %shift_right_arithmetic3A_335 = arith.shrsi %select_n3A_331, %shift_right_arithmetic3A_334 : vector<21x1xi32>
      %shift_right_arithmetic3A_336 = arith.constant 1 : i32
      %shift_right_arithmetic3A_337 = vector.broadcast %shift_right_arithmetic3A_336 : i32 to vector<21x1xi32>
      %shift_right_arithmetic3A_338 = arith.shrsi %select_n3A_332, %shift_right_arithmetic3A_337 : vector<21x1xi32>
      %add3A_339 = arith.addi %shift_right_arithmetic3A_335, %shift_right_arithmetic3A_338 : vector<21x1xi32>
      %and3A_340 = arith.andi %select_n3A_331, %select_n3A_332 : vector<21x1xi32>
      %and3A_341 = arith.constant 1 : i32
      %and3A_342 = vector.broadcast %and3A_341 : i32 to vector<21x1xi32>
      %and3A_343 = arith.andi %and3A_340, %and3A_342 : vector<21x1xi32>
      %add3A_344 = arith.addi %add3A_339, %and3A_343 : vector<21x1xi32>
      %le3A_345 = vector.broadcast %add3A_344 : vector<21x1xi32> to vector<21x1024xi32>
      %le3A_346 = arith.cmpi sle, %select_n3A, %le3A_345 : vector<21x1024xi32>
      %convert_element_type3A_347 = arith.extui %le3A_346 : vector<21x1024xi1> to vector<21x1024xi32>
      %reduce_sum3A_348 = arith.constant dense<0> : vector<21xi32>
      %reduce_sum3A_349 = vector.multi_reduction <add>, %convert_element_type3A_347, %reduce_sum3A_348 [1] : vector<21x1024xi32> to vector<21xi32>
      %broadcast_in_dim3A_350 = vector.shape_cast %reduce_sum3A_349 : vector<21xi32> to vector<21x1xi32>
      %eq3A_351 = arith.constant 64 : i32
      %eq3A_352 = vector.broadcast %eq3A_351 : i32 to vector<21x1xi32>
      %eq3A_353 = arith.cmpi eq, %broadcast_in_dim3A_350, %eq3A_352 : vector<21x1xi32>
      %eq3A_354 = arith.constant 0 : i32
      %eq3A_355 = vector.broadcast %eq3A_354 : i32 to vector<21x1xi32>
      %eq3A_356 = arith.cmpi eq, %select_n3A_327, %eq3A_355 : vector<21x1xi32>
      %and3A_357 = arith.andi %eq3A_353, %eq3A_356 : vector<21x1xi1>
      %select_n3A_358 = arith.select %and3A_357, %add3A_344, %select_n3A_324 : vector<21x1xi1>, vector<21x1xi32>
      %jit3A_359 = arith.constant 1 : i32
      %broadcast_in_dim3A_360 = vector.broadcast %jit3A_359 : i32 to vector<21x1xi32>
      %select_n3A_361 = arith.select %and3A_357, %broadcast_in_dim3A_360, %select_n3A_327 : vector<21x1xi1>, vector<21x1xi32>
      %ge3A_362 = arith.constant 64 : i32
      %ge3A_363 = vector.broadcast %ge3A_362 : i32 to vector<21x1xi32>
      %ge3A_364 = arith.cmpi sge, %broadcast_in_dim3A_350, %ge3A_363 : vector<21x1xi32>
      %select_n3A_365 = arith.select %ge3A_364, %select_n3A_331, %add3A_344 : vector<21x1xi1>, vector<21x1xi32>
      %select_n3A_366 = arith.select %ge3A_364, %add3A_344, %select_n3A_332 : vector<21x1xi1>, vector<21x1xi32>
      %add3A_367 = arith.constant 8 : i32
      %add3A_368 = arith.addi %while3A_93, %add3A_367 : i32
      scf.yield %add3A_368, %select_n3A_365, %select_n3A_366, %select_n3A_358, %select_n3A_361 : i32, vector<21x1xi32>, vector<21x1xi32>, vector<21x1xi32>, vector<21x1xi32>
    }
    %eq3A = arith.constant 1 : i32
    %eq3A_61 = vector.broadcast %eq3A : i32 to vector<21x1xi32>
    %eq3A_62 = arith.cmpi eq, %while3A_60#4, %eq3A_61 : vector<21x1xi32>
    %select_n3A_63 = arith.select %eq3A_62, %while3A_60#3, %while3A_60#2 : vector<21x1xi1>, vector<21x1xi32>
    %le3A = vector.broadcast %select_n3A_63 : vector<21x1xi32> to vector<21x1024xi32>
    %le3A_64 = arith.cmpi sle, %select_n3A, %le3A : vector<21x1024xi32>
    %broadcast_in_dim3A_65 = arith.constant 0.000000e+00 : f32
    %broadcast_in_dim3A_66 = vector.broadcast %broadcast_in_dim3A_65 : f32 to vector<21x1024xf32>
    %broadcast_in_dim3A_67 = vector.shape_cast %slice3A : vector<1x1024xf32> to vector<1x1024xf32>
    %broadcast_in_dim3A_68 = vector.broadcast %broadcast_in_dim3A_67 : vector<1x1024xf32> to vector<21x1024xf32>
    %select_n3A_69 = arith.select %le3A_64, %broadcast_in_dim3A_68, %broadcast_in_dim3A_66 : vector<21x1024xi1>, vector<21x1024xf32>
    %swap3A = arith.constant 0 : index
    %swap3A_70 = arith.constant 0 : index
    %swap3A_71 = arith.constant 0 : index
    %swap3A_72 = vector.load %arg3[%swap3A, %swap3A_70, %swap3A_71] : memref<1x21x1024xf32, #tpu.memory_space<vmem>>, vector<1x21x1024xf32>
    %swap3A_73 = vector.shape_cast %swap3A_72 : vector<1x21x1024xf32> to vector<21x1024xf32>
    %swap3A_74 = vector.shape_cast %select_n3A_69 : vector<21x1024xf32> to vector<1x21x1024xf32>
    tpu.vector_store %arg3[%swap3A, %swap3A_70, %swap3A_71], %swap3A_74 {strides = array<i32>} : memref<1x21x1024xf32, #tpu.memory_space<vmem>>, vector<1x21x1024xf32>,
    %broadcast_in_dim3A_75 = vector.shape_cast %slice3A_9 : vector<1x1024xf32> to vector<1x1024xf32>
    %broadcast_in_dim3A_76 = vector.broadcast %broadcast_in_dim3A_75 : vector<1x1024xf32> to vector<21x1024xf32>
    %select_n3A_77 = arith.select %le3A_64, %broadcast_in_dim3A_76, %broadcast_in_dim3A_66 : vector<21x1024xi1>, vector<21x1024xf32>
    %swap3A_78 = arith.constant 0 : index
    %swap3A_79 = arith.constant 0 : index
    %swap3A_80 = arith.constant 0 : index
    %swap3A_81 = vector.load %arg4[%swap3A_78, %swap3A_79, %swap3A_80] : memref<1x21x1024xf32, #tpu.memory_space<vmem>>, vector<1x21x1024xf32>
    %swap3A_82 = vector.shape_cast %swap3A_81 : vector<1x21x1024xf32> to vector<21x1024xf32>
    %swap3A_83 = vector.shape_cast %select_n3A_77 : vector<21x1024xf32> to vector<1x21x1024xf32>
    tpu.vector_store %arg4[%swap3A_78, %swap3A_79, %swap3A_80], %swap3A_83 {strides = array<i32>} : memref<1x21x1024xf32, #tpu.memory_space<vmem>>, vector<1x21x1024xf32>,
    %broadcast_in_dim3A_84 = vector.shape_cast %slice3A_10 : vector<1x1024xf32> to vector<1x1024xf32>
    %broadcast_in_dim3A_85 = vector.broadcast %broadcast_in_dim3A_84 : vector<1x1024xf32> to vector<21x1024xf32>
    %select_n3A_86 = arith.select %le3A_64, %broadcast_in_dim3A_85, %broadcast_in_dim3A_66 : vector<21x1024xi1>, vector<21x1024xf32>
    %swap3A_87 = arith.constant 0 : index
    %swap3A_88 = arith.constant 0 : index
    %swap3A_89 = arith.constant 0 : index
    %swap3A_90 = vector.load %arg5[%swap3A_87, %swap3A_88, %swap3A_89] : memref<1x21x1024xf32, #tpu.memory_space<vmem>>, vector<1x21x1024xf32>
    %swap3A_91 = vector.shape_cast %swap3A_90 : vector<1x21x1024xf32> to vector<21x1024xf32>
    %swap3A_92 = vector.shape_cast %select_n3A_86 : vector<21x1024xf32> to vector<1x21x1024xf32>
    tpu.vector_store %arg5[%swap3A_87, %swap3A_88, %swap3A_89], %swap3A_92 {strides = array<i32>} : memref<1x21x1024xf32, #tpu.memory_space<vmem>>, vector<1x21x1024xf32>,
    return
  }
  func.func @transform_0(%arg0: i32) -> (i32, i32, i32) {
    %c0_i32 = arith.constant 0 : i32
    %c0_i32_0 = arith.constant 0 : i32
    %c0_i32_1 = arith.constant 0 : i32
    return %arg0, %c0_i32, %c0_i32_0 : i32, i32, i32
  }
  func.func @transform_1(%arg0: i32) -> (i32, i32, i32) {
    %c0_i32 = arith.constant 0 : i32
    %c0_i32_0 = arith.constant 0 : i32
    %c0_i32_1 = arith.constant 0 : i32
    return %arg0, %c0_i32, %c0_i32_0 : i32, i32, i32
  }
  func.func @transform_2(%arg0: i32) -> (i32, i32, i32) {
    %c0_i32 = arith.constant 0 : i32
    %c0_i32_0 = arith.constant 0 : i32
    %c0_i32_1 = arith.constant 0 : i32
    return %arg0, %c0_i32, %c0_i32_0 : i32, i32, i32
  }
  func.func @transform_3(%arg0: i32) -> (i32, i32, i32) {
    %c0_i32 = arith.constant 0 : i32
    %c0_i32_0 = arith.constant 0 : i32
    %c0_i32_1 = arith.constant 0 : i32
    return %arg0, %c0_i32, %c0_i32_0 : i32, i32, i32
  }
  func.func @transform_4(%arg0: i32) -> (i32, i32, i32) {
    %c0_i32 = arith.constant 0 : i32
    %c0_i32_0 = arith.constant 0 : i32
    %c0_i32_1 = arith.constant 0 : i32
    return %arg0, %c0_i32, %c0_i32_0 : i32, i32, i32
  }
}

</mosaic_0001>

<sc_bundles>
// kernel: sparse-core-data-format-call.cloned.1.call-start
scs
called_computation_lowered:
.L_overlay_start_0:
0x0: {  	s2 =	sld [smem:$0x3FD9]  }
0x1: {  	s3 =	sld [smem:$0x3FFE];
	_ =	sdelay $0x1  }
0x2: {  	s1 =	srdreg.scid  }
0x3: {  	s0 =	sand.u32 $0x1, s1  }
0x4: {  	s18 =	sshll.u32 s0, $0xA;
	s2 =	sadd.s32 s3, s2  }
0x5: {  	s2 =	sadd.s32 s2, s18  }
0x6: {  	[smem:$0x3FC6] =	sst s2  }
0x7: {  	_ = 	snop  }
0x8: {  	s2 =	sld [smem:$0x3FD0];
	(tm) =	ssettm $0x1  }
0x9: {  	s19 =	sld [smem:$0x3FFB];
	_ =	sdelay $0x3  }
0xa: {  	_ =	strace s19  }
0xb: {  	s3 =	sld [smem:$0x3FFC];
	_ =	sdelay $0x3  }
0xc: {  	_ =	strace s3  }
0xd: {  	s3 =	sld [smem:$0x3FFD];
	_ =	sdelay $0x3  }
0xe: {  	_ =	strace s3  }
0xf: {  	_ =	strace $0x8FFFFFFF  }
0x10: {  	s20 =	sld [smem:$0x3FDB];
	_ =	sdelay $0x1  }
0x11: {  	s4 =	simm.s32 $_scs_section_size  }
0x12: {  	s5 =	simm.s32 $_size__tile_overlayer_lowered;
	s6 =	simm.s32 $_tile_overlayer_lowered  }
0x13: {  	s23 =	simm.s32 $0x1BFF;
	s22 =	sshll.u32 s6, $0x1;
	s3 =	sadd.s32 s4, s20  }
0x14: {  	s7 =	simm.s32 $0x0;
	s21 =	sshll.u32 s5, $0x1;
	s5 =	sadd.s32 s22, s3  }
0x15: {  	[timem:s7], [sflag:s23] =	dma.local [hbm:s5], s21  }
0x16: {  	_ =	swait.ge [sflag:s23], s21  }
0x17: {  	s4 =	ssub.s32 $0x0, s21;
	[sflag:s23] =	ssyncset.done $0x0  }
0x18: {  	[sflag:s23] =	ssyncadd.s32 s4;
	_ =	sdelay $0x1  }
0x19: {  	s24 =	simm.s32 $0x1B8B  }
0x1a: {  	_ =	swait.ge [sflag:s24], $0x1  }
0x1b: {  	[sflag:s24] =	ssyncset.done $0x0  }
0x1c: {  	s26 =	simm.s32 $0x1B8E;
	s25 =	sld [smem:$0x3FFE];
	[sflag:s24] =	ssyncadd.s32 $0xFFFFFFFF  }
0x1d: {  	s27 =	simm.s32 $execute0_lowered;
	[smem:$0x3FD2] =	sst s26  }
0x1e: {  	s5 =	sshll.u32 s27, $0x1;
	_ =	strace $0x80000046;
	[dreg:$0x1] =	wrdreg $0xFFFFFFFF  }
0x1f: {  	s28 =	simm.s32 $_size_execute0_lowered;
	s3 =	sadd.s32 s3, s5;
	[dreg:$0x0] =	wrdreg $0x0  }
0x20: {  	s5 =	sshll.u32 s28, $0x1;
	[dreg:$0x2] =	wrdreg s3  }
0x21: {  	[dreg:$0x3] =	wrdreg s5  }
0x22: {  	[dreg:$0x4] =	wrdreg $0xC0  }
0x23: {  	_ =	task [dreg:s7], $0x5FFFF  }
0x24: {  	[dreg:$0x1] =	wrdreg $0xFFFFFFFF  }
0x25: {  	[dreg:$0x0] =	wrdreg $0x60  }
0x26: {  	[dreg:$0x2] =	wrdreg s25  }
0x27: {  	[dreg:$0x3] =	wrdreg s2  }
0x28: {  	[dreg:$0x4] =	wrdreg $0x9  }
0x29: {  	_ =	task.clear_ibuf [dreg:s7], $0x5FFFF;
	_ =	strace $0x90000046  }
0x2a: {  	s29 =	simm.s32 $0x9;
	_ =	strace $0x80000048  }
0x2b: {  	_ =	swait.ge [sflag:s29], $0x1  }
0x2c: {  	[sflag:s29] =	ssyncadd.s32 $0xFFFFFFFF  }
0x2d: {  	_ =	strace $0x90000048  }
0x2e: {  	_ =	sfence  }
0x2f: {  	s30 =	sld [smem:$0x0];
	_ =	sdelay $0x2  }
0x30: {  	s31 =	sshll.u32 s1, $0xD;
	s1 =	sshrl.u32 s1, $0x2  }
0x31: {  	s3 =	sand.u32 $0x4000, s31;
	s1 =	sadd.s32 s1, s30  }
0x32: {  	s0 =	sor.u32 s3, s0;
	s1 =	sshll.u32 s1, $0x11  }
0x33: {  	s0 =	sor.u32 s1, s0  }
0x34: {  	s0 =	sadd.s32 $0x8F2B, s0  }
0x35: {  	[sflag:s0] =	ssyncadd.remote.s32 $0x1  }
0x36: {  	_ =	sfence.sel $0xFFFF  }
0x37: {  	[dreg:$0x0] =	wrdreg $0xFFFFFFFF;
	(pc) =	sbr.abs _section_cstart, $3  }
0x38: {  	[dreg:$0x1] =	wrdreg $0xFFFFFFFF  }
0x39: {  	_ =	task.clear_ibuf [dreg:s7], $0x2FFFF;
	_ =	strace $0x9FFFFFFF  }
0x3a: {  	(tm) =	ssettm $0x7FFFFFFF  }
0x3b: {  	_ =	shalt  }
tec
execute0_lowered:
.L_overlay_start_1:
0x0: {  	(tag) =	ssettag $0x1  }
0x1: {  	s0 =	srdreg.scid  }
0x2: {  	s7 =	rddreg [dreg:$0x0];
	s1 =	sshll.u32 s0, $0x4  }
0x3: {  	s6 =	simm.s32 $0x1;
	s0 =	stileid.u32;
	s1 =	sand.u32 $0x10, s1  }
0x4: {  	s9 =	simm.s32 $0x1;
	s29 =	sshll.u32 s0, $0x7;
	s8 =	sor.u32 s0, s1  }
0x5: {  	s31 =	simm.s32 $0x2;
	s1 =	sand.u32 $0x180, s29;
	s2 =	sshll.u32 s8, $0x5  }
0x6: {  	s17 =	simm.s32 $0x0;
	s3 =	ssub.s32 $0x200, s1;
	s2 =	sand.u32 $0x380, s2  }
0x7: {  	s10 =	simm.s32 $0x400;
	s4 =	sand.u32 $0x180, s3;
	s5 =	ssub.s32 $0x400, s2  }
0x8: {  	s11 =	simm.s32 $0x2000;
	p0 =	sne.s32 s4, $0x0;
	s30 =	sand.u32 $0x380, s5  }
0x9: {  	s12 =	simm.s32 $0x0;
	s6 =	simm.s32 @!p0 $0x0;
	p0 =	sne.s32 s30, $0x0  }
0xa: {  	s3 =	sshrl.u32 s3, $0x9;
	s5 =	sshrl.u32 s5, $0xA;
	s9 =	simm.s32 @!p0 $0x0  }
0xb: {  	s19 =	simm.s32 $0x0;
	s6 =	sadd.s32 s6, s3;
	s5 =	sadd.s32 s9, s5  }
0xc: {  	s18 =	simm.s32 $0x0;
	s20 =	simm.s32 $0x0;
	s6 =	smul.u32 s5, s6  }
.Ltmp0:
0xd: {  	s13 =	simm.s32 $0x0;
	s4 =	rddreg [dreg:$0x1];
	(pc) =	sbr.rel .LBB1_1-.Ltmp0, $4  }
0xe: {  	s15 =	simm.s32 $0x0;
	s16 =	simm.s32 $0x0;
	s3 =	rddreg [dreg:$0x2]  }
0xf: {  	_ =	strace $0x80000047;
	s5 =	simm.s32 $0x1;
	s6 =	smul.u32 $0x3F, s6  }
0x10: {  	s7 =	sadd.s32 $0x300600, s7;
	s8 =	sshll.u32 s8, $0x8;
	[sflag:s5] =	ssyncpa.u1 $0x0  }
0x11: {  	s14 =	smov.u32 s1;
	[sflag:s31] =	ssyncpa.u1 $0x0;
	s9 =	sadd.s32 $0x1, s6  }
.LBB1_4:
0x12: {  	_ =	sdelay $0x3  }
0x13: {  	[tilespmem:v0+s23+$0xFFFFFFD0 ss:$0x1] =	vst.idx.msk $0xffff, v6  }
0x14: {  	v56 =	vld.idx.msk [tilespmem:v1+s22+$0x0 ss:$0x1], $0xffff;
	[tilespmem:v0+s23+$0xFFFFFFE0 ss:$0x1] =	vst.idx.msk $0xffff, v4  }
0x15: {  	v57 =	vld.idx.msk [tilespmem:v1+s22+$0xFFFFFF90 ss:$0x1], $0xffff;
	[tilespmem:v0+s23+$0xFFFFFFF0 ss:$0x1] =	vst.idx.msk $0xffff, v2  }
0x16: {  	v58 =	vld.idx.msk [tilespmem:v1+s22+$0xFFFFFFA0 ss:$0x1], $0xffff;
	[tilespmem:v0+s23+$0x0 ss:$0x1] =	vst.idx.msk $0xffff, v3  }
0x17: {  	v59 =	vld.idx.msk [tilespmem:v1+s22+$0xFFFFFFB0 ss:$0x1], $0xffff;
	[tilespmem:v0+s23+$0x10 ss:$0x1] =	vst.idx.msk $0xffff, v5  }
0x18: {  	v60 =	vld.idx.msk [tilespmem:v1+s22+$0xFFFFFFC0 ss:$0x1], $0xffff;
	[tilespmem:v0+s23+$0x20 ss:$0x1] =	vst.idx.msk $0xffff, v7  }
0x19: {  	v61 =	vld.idx.msk [tilespmem:v1+s22+$0xFFFFFFD0 ss:$0x1], $0xffff;
	[tilespmem:v0+s22+$0x30 ss:$0x1] =	vst.idx.msk $0xffff, v56  }
0x1a: {  	v62 =	vld.idx.msk [tilespmem:v1+s22+$0xFFFFFFE0 ss:$0x1], $0xffff;
	[tilespmem:v0+s22+$0xFFFFFFC0 ss:$0x1] =	vst.idx.msk $0xffff, v57  }
0x1b: {  	v63 =	vld.idx.msk [tilespmem:v1+s22+$0xFFFFFFF0 ss:$0x1], $0xffff;
	[tilespmem:v0+s22+$0xFFFFFFD0 ss:$0x1] =	vst.idx.msk $0xffff, v58  }
0x1c: {  	s19 =	smul.u32 $0x30000, s19;
	s20 =	sshll.u32 s20, $0x10;
	[tilespmem:v0+s22+$0xFFFFFFE0 ss:$0x1] =	vst.idx.msk $0xffff, v59  }
0x1d: {  	s30 =	sshll.u32 s18, $0x7;
	s31 =	sshll.u32 s18, $0x4;
	s20 =	sadd.s32 s4, s20;
	[tilespmem:v0+s22+$0xFFFFFFF0 ss:$0x1] =	vst.idx.msk $0xffff, v60  }
0x1e: {  	s23 =	sand.u32 $0xFC00, s30;
	s18 =	sand.u32 $0x70, s31;
	s19 =	sadd.s32 s19, s20;
	[tilespmem:v0+s22+$0x0 ss:$0x1] =	vst.idx.msk $0xffff, v61  }
0x1f: {  	s17 =	sor.u32 s17, s23;
	s18 =	sadd.s32 s18, s19;
	[tilespmem:v0+s22+$0x10 ss:$0x1] =	vst.idx.msk $0xffff, v62  }
0x20: {  	s17 =	sadd.s32 s17, s18;
	[tilespmem:v0+s22+$0x20 ss:$0x1] =	vst.idx.msk $0xffff, v63  }
0x21: {  	[hbm4b:s17+s10] =	stream.strided.scatter [tilespmem:s21], [sflag:$0x2], $0x4000, s11, s10, $0x38;
	[tilespmem:$0x10000] =	vst v63  }
.LBB1_5:
0x22: {  	s21 =	sadd.s32 $0x1, s13  }
0x23: {  	s17 =	sadd.s32 $0x200, s14;
	s22 =	smov.u32 s14;
	p1 =	sgt.s32 s21, $0x14  }
0x24: {  	s22 =	smov.u32 @p1 s17  }
0x25: {  	s17 =	simm.s32 $0x1;
	p2 =	sgt.s32 s22, $0x1FF  }
0x26: {  	s17 =	simm.s32 @!p2 $0x0  }
0x27: {  	s24 =	sadd.s32 s17, s15  }
0x28: {  	s21 =	simm.s32 @p1 $0x0;
	p1 =	sgt.s32 s24, $0x2  }
0x29: {  	p0 =	slt.u32 s16, $0x2;
	s24 =	simm.s32 @p1 $0x0;
	p1 =	sne.s32 s16, s9  }
.Ltmp1:
0x2a: {  	s19 =	smov.u32 s13;
	s23 =	simm.s32 @!p0 $0x2;
	(pc) =	sbr.rel @!p1 .LBB1_6-.Ltmp1, $4  }
0x2b: {  	s18 =	smov.u32 s14;
	s20 =	smov.u32 s15;
	_ =	swait.ge @!p0 [sflag:s23], $0x4000  }
0x2c: {  	s12 =	sadd.s32 $0x4000, s12;
	[sflag:s23] =	ssyncset.done @!p0 $0x0;
	s13 =	smov.u32 s21  }
0x2d: {  	s22 =	smov.u32 @p2 s1;
	[sflag:s23] =	ssyncadd.s32 @!p0 $0xFFFFC000;
	s17 =	smov.u32 s2  }
0x2e: {  	s14 =	smov.u32 s22;
	s16 =	sadd.s32 $0x1, s16;
	s15 =	smov.u32 s24  }
.LBB1_1:
0x2f: {  	p0 =	sge.u32 s16, s6  }
0x30: {  	s21 =	sshll.u32 @!p0 s13, $0xA  }
0x31: {  	s21 =	sand.u32 @!p0 $0xFFFFE000, s21  }
0x32: {  	s21 =	sor.u32 @!p0 s8, s21  }
0x33: {  	s21 =	sshrl.u32 @!p0 s21, $0xA  }
0x34: {  	s22 =	smulhi.u32 @!p0 $0xAAAAAAB, s21  }
0x35: {  	s23 =	smul.u32 @!p0 $0x180000, s15  }
0x36: {  	s22 =	smul.u32 @!p0 $0x18, s22  }
0x37: {  	s31 =	sadd.s32 $0xFFFFFFFF, s16;
	s24 =	sxor.u32 @!p0 $0xFFFFFFFF, s16;
	s25 =	smul.u32 @!p0 $0xC00, s14  }
0x38: {  	s23 =	sadd.s32 @!p0 s7, s23;
	s21 =	ssub.s32 @!p0 s21, s22;
	s22 =	sshll.u32 @!p0 s13, $0x4  }
0x39: {  	s24 =	sshll.u32 @!p0 s24, $0xE;
	s23 =	sadd.s32 @!p0 s25, s23;
	s22 =	sand.u32 @!p0 $0x70, s22  }
0x3a: {  	s24 =	sand.u32 @!p0 $0x4000, s24;
	s21 =	sshll.u32 @!p0 s21, $0x7;
	s22 =	sadd.s32 @!p0 s22, s23  }
0x3b: {  	s23 =	simm.s32 @!p0 $0x6000;
	s21 =	sadd.s32 @!p0 s21, s22;
	s22 =	simm.s32 @!p0 $0x80  }
0x3c: {  	[tilespmem:s24], [sflag:$0x1] =	stream.strided.gather @!p0 [hbm4b:s21+s22], $0x4000, s23, s22, $0x38;
	[tilespmem:$0x10000] =	vst v63  }
0x3d: {  	p0 =	sge.u32 s31, s6  }
.Ltmp2:
0x3e: {  	_ = 	snop;
	(pc) =	sbr.rel @p0 .LBB1_5-.Ltmp2, $1  }
0x3f: {  	_ =	sdelay $0x3  }
0x40: {  	s21 =	sand.u32 $0x4000, s12  }
0x41: {  	s22 =	sor.u32 $0x70, s21  }
0x42: {  	v1 =	vmov s22;
	_ =	sdelay $0x1  }
0x43: {  	_ =	swait.ge [sflag:s5], $0x4000  }
0x44: {  	[sflag:s5] =	ssyncset.done $0x0  }
0x45: {  	s23 =	simm.s32 $0x0;
	[sflag:s5] =	ssyncadd.s32 $0xFFFFC000  }
0x46: {  	s21 =	sor.u32 $0x8040, s21;
	v7 =	vld.idx.msk [tilespmem:v1+s23+$0x0 ss:$0x1], $0xffff  }
0x47: {  	v0 =	vmov s21;
	v8 =	vld.idx.msk [tilespmem:v1+s23+$0xFFFFFF90 ss:$0x1], $0xffff  }
0x48: {  	v6 =	vld.idx.msk [tilespmem:v1+s23+$0xFFFFFFA0 ss:$0x1], $0xffff  }
0x49: {  	v4 =	vld.idx.msk [tilespmem:v1+s23+$0xFFFFFFB0 ss:$0x1], $0xffff  }
0x4a: {  	v2 =	vld.idx.msk [tilespmem:v1+s23+$0xFFFFFFC0 ss:$0x1], $0xffff  }
0x4b: {  	s31 =	sshll.u32 s16, $0xE;
	v3 =	vld.idx.msk [tilespmem:v1+s23+$0xFFFFFFD0 ss:$0x1], $0xffff  }
0x4c: {  	s21 =	sand.u32 $0x4000, s31;
	v5 =	vld.idx.msk [tilespmem:v1+s23+$0xFFFFFFE0 ss:$0x1], $0xffff;
	[tilespmem:v0+s23+$0x30 ss:$0x1] =	vst.idx.msk $0xffff, v7  }
0x4d: {  	s24 =	simm.s32 $0x400;
	s22 =	simm.s32 $0x80;
	s21 =	sor.u32 $0x8000, s21;
	[tilespmem:v0+s23+$0xFFFFFFC0 ss:$0x1] =	vst.idx.msk $0xffff, v8;
	v7 =	vld.idx.msk [tilespmem:v1+s23+$0xFFFFFFF0 ss:$0x1], $0xffff  }
.LBB1_3:
0x4e: {  	p0 =	sne.s32 s24, $0xFE00;
	v8 =	vld.idx.msk [tilespmem:v1+s22+$0x0 ss:$0x1], $0xffff;
	[tilespmem:v0+s23+$0xFFFFFFD0 ss:$0x1] =	vst.idx.msk $0xffff, v6  }
0x4f: {  	v9 =	vld.idx.msk [tilespmem:v1+s22+$0xFFFFFF90 ss:$0x1], $0xffff;
	[tilespmem:v0+s23+$0xFFFFFFE0 ss:$0x1] =	vst.idx.msk $0xffff, v4  }
0x50: {  	v6 =	vld.idx.msk [tilespmem:v1+s22+$0xFFFFFFA0 ss:$0x1], $0xffff;
	[tilespmem:v0+s23+$0xFFFFFFF0 ss:$0x1] =	vst.idx.msk $0xffff, v2  }
.Ltmp3:
0x51: {  	v4 =	vld.idx.msk [tilespmem:v1+s22+$0xFFFFFFB0 ss:$0x1], $0xffff;
	[tilespmem:v0+s23+$0x0 ss:$0x1] =	vst.idx.msk $0xffff, v3;
	(pc) =	sbr.rel @p0 .LBB1_3-.Ltmp3, $4  }
0x52: {  	v2 =	vld.idx.msk [tilespmem:v1+s22+$0xFFFFFFC0 ss:$0x1], $0xffff;
	[tilespmem:v0+s23+$0x10 ss:$0x1] =	vst.idx.msk $0xffff, v5  }
0x53: {  	v3 =	vld.idx.msk [tilespmem:v1+s22+$0xFFFFFFD0 ss:$0x1], $0xffff;
	[tilespmem:v0+s23+$0x20 ss:$0x1] =	vst.idx.msk $0xffff, v7;
	s23 =	smov.u32 s22  }
0x54: {  	v5 =	vld.idx.msk [tilespmem:v1+s23+$0xFFFFFFE0 ss:$0x1], $0xffff;
	[tilespmem:v0+s23+$0x30 ss:$0x1] =	vst.idx.msk $0xffff, v8  }
0x55: {  	s22 =	sshra.s32 s24, $0x2;
	s24 =	sadd.s32 $0x200, s24;
	[tilespmem:v0+s23+$0xFFFFFFC0 ss:$0x1] =	vst.idx.msk $0xffff, v9;
	v7 =	vld.idx.msk [tilespmem:v1+s23+$0xFFFFFFF0 ss:$0x1], $0xffff  }
.Ltmp4:
0x56: {  	_ = 	snop;
	(pc) =	sbr.rel .LBB1_4-.Ltmp4, $1  }
0x57: {  	_ =	sdelay $0x3  }
.LBB1_6:
0x58: {  	_ =	sfence.sel $0x180000  }
0x59: {  	s1 =	simm.s32 $0x1;
	[bflag:$0x0] =	sbarrier.arrive $0xFFFF  }
0x5a: {  	s31 =	simm.s32 $0x2;
	[sflag:s1] =	ssyncpa.u1 $0x1  }
0x5b: {  	[sflag:s31] =	ssyncpa.u1 $0x1  }
0x5c: {  	p0 =	sne.s32 s0, $0x0;
	_ =	strace $0x90000047  }
0x5d: {  	s0 =	sadd.s32 @!p0 $0x100000, s3;
	[bflag:$0x2] =	sbarrier.arrive $0xFFFF  }
0x5e: {  	[sflag:s0] =	ssyncadd.tile.s32 @!p0 $0x1;
	_ =	shalt  }
.Lfunc_end1:
_tile_overlayer_lowered:
.L_overlay_start_2:
0x5f: {  	(tag) =	ssettag $0x2  }
0x60: {  	s0 =	rddreg [dreg:$0x0];
	s2 =	stileid.u32  }
0x61: {  	s1 =	rddreg [dreg:$0x1];
	p0 =	sne.s32 s2, $0x0  }
0x62: {  	s3 =	rddreg [dreg:$0x2];
	[bflag:$0x3] =	sbarrier.arrive $0xFFFF;
	s2 =	simm.s32 @!p0 $0x1C01  }
0x63: {  	[timem:s3], [sflag:s2] =	dma.local @!p0 [hbm:s0], s1  }
0x64: {  	s0 =	simm.s32 @!p0 $0x1  }
0x65: {  	_ =	swait.ge @!p0 [sflag:s0], s1  }
0x66: {  	s1 =	ssub.s32 @!p0 $0x0, s1;
	[sflag:s0] =	ssyncset.done @!p0 $0x0  }
0x67: {  	[sflag:s0] =	ssyncadd.s32 @!p0 s1  }
0x68: {  	[bflag:$0x3] =	sbarrier.arrive $0xFFFF  }
0x69: {  	_ =	shalt  }

</sc_bundles>
